<compile_context>
chip_gen: v7x
topology: tpu7x:2x2x1
jax: 0.10.2.dev20260603
libtpu: 0.0.44.dev20260713+nightly
codegen_flags: <defaults>
</compile_context>

<pallas_src>
import functools

import jax
import jax.numpy as jnp
from jax import lax
from jax.experimental import pallas as pl
from jax.experimental.pallas import tpu as pltpu
from jax.experimental.pallas import tpu_sc as plsc

N_NODES = 10000
N_EDGES = 320000
D = 128

NC = 2
NS = 16
NW = NC * NS
CH = 128
KCH = 79
EPW = KCH * CH
E_PAD = NW * EPW
HP = 10240
ROWS_PER_TILE = HP // NS


def _sc_segment_sum(x, zeros_hbm, src2d, dst2d):
    mesh = plsc.VectorSubcoreMesh(core_axis_name="c", subcore_axis_name="s")

    @functools.partial(
        pl.kernel,
        mesh=mesh,
        out_type=jax.ShapeDtypeStruct((NC, HP, D), jnp.float32),
        scratch_types=[
            pltpu.VMEM((KCH, CH), jnp.int32),
            pltpu.VMEM((KCH, CH), jnp.int32),
            pltpu.VMEM((CH, D), jnp.float32),
            pltpu.VMEM_SHARED((HP, D), jnp.float32),
            pltpu.SemaphoreType.DMA,
            pltpu.SemaphoreType.DMA,
        ],
    )
    def k(x_hbm, z_hbm, src_hbm, dst_hbm, out_hbm, src_v, dst_v, rows_v,
          h_sh, sem, sem2):
        c = lax.axis_index("c")
        s = lax.axis_index("s")
        wid = s * NC + c
        base = s * ROWS_PER_TILE

        pltpu.sync_copy(z_hbm.at[pl.ds(base, ROWS_PER_TILE)],
                        h_sh.at[pl.ds(base, ROWS_PER_TILE)])
        plsc.subcore_barrier()

        pltpu.sync_copy(src_hbm.at[wid], src_v)
        pltpu.sync_copy(dst_hbm.at[wid], dst_v)

        def body(j, _):
            pltpu.async_copy(x_hbm.at[src_v.at[j]], rows_v, sem).wait()
            pltpu.sync_copy(rows_v, h_sh.at[dst_v.at[j]], add=True)
            return 0
        lax.fori_loop(0, KCH, body, 0)
        plsc.subcore_barrier()

        HRT = ROWS_PER_TILE // 2
        o0 = pltpu.async_copy(h_sh.at[pl.ds(base, HRT)],
                              out_hbm.at[c, pl.ds(base, HRT)], sem)
        o1 = pltpu.async_copy(h_sh.at[pl.ds(base + HRT, HRT)],
                              out_hbm.at[c, pl.ds(base + HRT, HRT)], sem2)
        o0.wait()
        o1.wait()

    return k(x, zeros_hbm, src2d, dst2d)


def _tc_linear(h2, W, b2):
    BLK = 1024

    def body(h_ref, w_ref, b_ref, o_ref):
        hsum = h_ref[0] + h_ref[1]
        o_ref[...] = lax.dot_general(
            hsum, w_ref[...], (((1,), (1,)), ((), ())),
            preferred_element_type=jnp.float32) + b_ref[...]

    return pl.pallas_call(
        body,
        grid=(HP // BLK,),
        in_specs=[
            pl.BlockSpec((NC, BLK, D), lambda i: (0, i, 0)),
            pl.BlockSpec((D, D), lambda i: (0, 0)),
            pl.BlockSpec((1, D), lambda i: (0, 0)),
        ],
        out_specs=pl.BlockSpec((BLK, D), lambda i: (i, 0)),
        out_shape=jax.ShapeDtypeStruct((HP, D), jnp.float32),
    )(h2, W, b2)


def kernel(x, edge_index, W, b):
    src = edge_index[0].astype(jnp.int32)
    dst = edge_index[1].astype(jnp.int32)
    pad = E_PAD - N_EDGES
    src_p = jnp.concatenate(
        [src, jnp.zeros((pad,), jnp.int32)]).reshape(NW, KCH, CH)
    dst_pad = N_NODES + (jnp.arange(pad, dtype=jnp.int32) % (HP - N_NODES))
    dst_p = jnp.concatenate([dst, dst_pad]).reshape(NW, KCH, CH)
    z = jnp.zeros((HP, D), jnp.float32)
    h2 = _sc_segment_sum(x, z, src_p, dst_p)
    out = _tc_linear(h2, W, b.reshape(1, D))
    return out[:N_NODES]

# --- scband reference (transcript-rebuilt; emitter-appended) ---
"""Pipeline reference for scband-gcnlayer-987842478877 (READ-ONLY COPY).

The authoritative reference and input builder live on the scoring server;
editing this copy changes nothing except your own understanding.
"""

import jax, jax.numpy as jnp
import numpy as np

N_NODES = 10000
N_EDGES = 320000
D_IN = 128
D_OUT = 128

def setup_inputs(seed: int = 0) -> dict:
    key = jax.random.key(seed)
    k1, k2, k3, k4 = jax.random.split(key, 4)
    x = jax.random.normal(k1, (N_NODES, D_IN), dtype=jnp.float32)
    edge_index = jax.random.randint(k2, (2, N_EDGES), 0, N_NODES, dtype=jnp.int64)
    # Linear layer params (torch nn.Linear: out = h @ W.T + b)
    bound = 1.0 / np.sqrt(D_IN)
    W = jax.random.uniform(k3, (D_OUT, D_IN), minval=-bound, maxval=bound, dtype=jnp.float32)
    b = jax.random.uniform(k4, (D_OUT,), minval=-bound, maxval=bound, dtype=jnp.float32)
    return {"x": x, "edge_index": edge_index, "W": W, "b": b}

def reference(x, edge_index, W, b):
    # DGL GCN message passing: msg = src embeddings, reduce = sum over incoming edges
    src = edge_index[0]
    dst = edge_index[1]
    msgs = jnp.take(x, src, axis=0)                    # gather: [E, D_IN]
    h = jax.ops.segment_sum(msgs, dst, num_segments=N_NODES)  # scatter-add: [N, D_IN]
    out = h @ W.T + b                                   # linear
    return out

if __name__ == "__main__":
    import jax
    _d = setup_inputs()
    print(jax.jit(kernel)(*tuple(_d.values())))

</pallas_src>

<mosaic_0001>
#map = affine_map<(d0, d1) -> (0, 0)>
#map1 = affine_map<(d0, d1) -> (0, 0, 0)>
module attributes {stable_mosaic.version = 14 : i64} {
  func.func @k(%arg0: i32, %arg1: i32, %arg2: memref<10000x128xf32, #tpu.memory_space<hbm>>, %arg3: memref<10240x128xf32, #tpu.memory_space<hbm>>, %arg4: memref<32x79x128xi32, #tpu.memory_space<hbm>>, %arg5: memref<32x79x128xi32, #tpu.memory_space<hbm>>, %arg6: memref<2x10240x128xf32, #tpu.memory_space<hbm>>, %arg7: memref<79x128xi32, #tpu.memory_space<vmem>>, %arg8: memref<79x128xi32, #tpu.memory_space<vmem>>, %arg9: memref<128x128xf32, #tpu.memory_space<vmem>>, %arg10: memref<10240x128xf32, #tpu.memory_space<vmem_shared>>, %arg11: memref<!tpu.dma_semaphore, #tpu.memory_space<semaphore_mem>>, %arg12: memref<!tpu.dma_semaphore, #tpu.memory_space<semaphore_mem>>) attributes {dimension_semantics = [#tpu.dimension_semantics<core_parallel>, #tpu.dimension_semantics<subcore_parallel>], iteration_bounds = array<i64: 2, 16>, scalar_prefetch = 0 : i64, scratch_operands = 6 : i64, tpu.core_type = #tpu.core_type<sc_vector_subcore>, window_params = [{transform_indices = #map}, {transform_indices = #map}, {transform_indices = #map1}, {transform_indices = #map1}, {transform_indices = #map1}]} {
    %mul3A = arith.constant 2 : i32
    %mul3A_0 = arith.muli %arg1, %mul3A : i32
    %add3A = arith.addi %mul3A_0, %arg0 : i32
    %mul3A_1 = arith.constant 640 : i32
    %mul3A_2 = arith.muli %arg1, %mul3A_1 : i32
    "tpu.region"() ({
      %run_scoped3A = tpu.sem_alloc : memref<!tpu.dma_semaphore, #tpu.memory_space<semaphore_mem>>
      %dma_start3A_32 = arith.constant 0 : i32
      %dma_start3A_33 = tpu.memref_slice %arg10[%mul3A_2, %dma_start3A_32] : memref<10240x128xf32, #tpu.memory_space<vmem_shared>> -> memref<640x128xf32, #tpu.memory_space<vmem_shared>>
      %dma_start3A_34 = arith.constant 0 : i32
      %dma_start3A_35 = tpu.memref_slice %arg3[%mul3A_2, %dma_start3A_34] : memref<10240x128xf32, #tpu.memory_space<hbm>> -> memref<640x128xf32, #tpu.memory_space<hbm>>
      tpu.enqueue_dma source(%dma_start3A_35 : memref<640x128xf32, #tpu.memory_space<hbm>>) target(%dma_start3A_33 : memref<640x128xf32, #tpu.memory_space<vmem_shared>>) target_semaphore(%run_scoped3A : memref<!tpu.dma_semaphore, #tpu.memory_space<semaphore_mem>>)
      %dma_wait3A_36 = arith.constant 0 : i32
      %dma_wait3A_37 = tpu.memref_slice %arg10[%mul3A_2, %dma_wait3A_36] : memref<10240x128xf32, #tpu.memory_space<vmem_shared>> -> memref<640x128xf32, #tpu.memory_space<vmem_shared>>
      %dma_wait3A_38 = arith.constant 0 : i32
      %dma_wait3A_39 = tpu.memref_slice %arg3[%mul3A_2, %dma_wait3A_38] : memref<10240x128xf32, #tpu.memory_space<hbm>> -> memref<640x128xf32, #tpu.memory_space<hbm>>
      tpu.wait_dma2 semaphore(%run_scoped3A : memref<!tpu.dma_semaphore, #tpu.memory_space<semaphore_mem>>) src(%dma_wait3A_39 : memref<640x128xf32, #tpu.memory_space<hbm>>) dst(%dma_wait3A_37 : memref<640x128xf32, #tpu.memory_space<vmem_shared>>)
      tpu.yield
    }) : () -> ()
    %barrier3A = arith.constant 0 : index
    tpu.barrier barrier_id(%barrier3A)
    "tpu.region"() ({
      %run_scoped3A = tpu.sem_alloc : memref<!tpu.dma_semaphore, #tpu.memory_space<semaphore_mem>>
      %dma_start3A_32 = arith.constant 0 : i32
      %dma_start3A_33 = arith.constant 0 : i32
      %dma_start3A_34 = tpu.memref_slice %arg4[%add3A, %dma_start3A_32, %dma_start3A_33] : memref<32x79x128xi32, #tpu.memory_space<hbm>> -> memref<1x79x128xi32, #tpu.memory_space<hbm>>
      %dma_start3A_35 = tpu.memref_squeeze %dma_start3A_34 : memref<1x79x128xi32, #tpu.memory_space<hbm>> -> memref<79x128xi32, #tpu.memory_space<hbm>>
      %dma_start3A_36 = arith.constant 0 : i32
      %dma_start3A_37 = arith.constant 0 : i32
      %dma_start3A_38 = tpu.memref_slice %arg4[%add3A, %dma_start3A_36, %dma_start3A_37] : memref<32x79x128xi32, #tpu.memory_space<hbm>> -> memref<1x79x128xi32, #tpu.memory_space<hbm>>
      %dma_start3A_39 = tpu.memref_squeeze %dma_start3A_38 : memref<1x79x128xi32, #tpu.memory_space<hbm>> -> memref<79x128xi32, #tpu.memory_space<hbm>>
      tpu.enqueue_dma source(%dma_start3A_39 : memref<79x128xi32, #tpu.memory_space<hbm>>) target(%arg7 : memref<79x128xi32, #tpu.memory_space<vmem>>) target_semaphore(%run_scoped3A : memref<!tpu.dma_semaphore, #tpu.memory_space<semaphore_mem>>)
      %dma_wait3A_40 = arith.constant 0 : i32
      %dma_wait3A_41 = arith.constant 0 : i32
      %dma_wait3A_42 = tpu.memref_slice %arg4[%add3A, %dma_wait3A_40, %dma_wait3A_41] : memref<32x79x128xi32, #tpu.memory_space<hbm>> -> memref<1x79x128xi32, #tpu.memory_space<hbm>>
      %dma_wait3A_43 = tpu.memref_squeeze %dma_wait3A_42 : memref<1x79x128xi32, #tpu.memory_space<hbm>> -> memref<79x128xi32, #tpu.memory_space<hbm>>
      %dma_wait3A_44 = arith.constant 0 : i32
      %dma_wait3A_45 = arith.constant 0 : i32
      %dma_wait3A_46 = tpu.memref_slice %arg4[%add3A, %dma_wait3A_44, %dma_wait3A_45] : memref<32x79x128xi32, #tpu.memory_space<hbm>> -> memref<1x79x128xi32, #tpu.memory_space<hbm>>
      %dma_wait3A_47 = tpu.memref_squeeze %dma_wait3A_46 : memref<1x79x128xi32, #tpu.memory_space<hbm>> -> memref<79x128xi32, #tpu.memory_space<hbm>>
      tpu.wait_dma2 semaphore(%run_scoped3A : memref<!tpu.dma_semaphore, #tpu.memory_space<semaphore_mem>>) src(%dma_wait3A_47 : memref<79x128xi32, #tpu.memory_space<hbm>>) dst(%arg7 : memref<79x128xi32, #tpu.memory_space<vmem>>)
      tpu.yield
    }) : () -> ()
    "tpu.region"() ({
      %run_scoped3A = tpu.sem_alloc : memref<!tpu.dma_semaphore, #tpu.memory_space<semaphore_mem>>
      %dma_start3A_32 = arith.constant 0 : i32
      %dma_start3A_33 = arith.constant 0 : i32
      %dma_start3A_34 = tpu.memref_slice %arg5[%add3A, %dma_start3A_32, %dma_start3A_33] : memref<32x79x128xi32, #tpu.memory_space<hbm>> -> memref<1x79x128xi32, #tpu.memory_space<hbm>>
      %dma_start3A_35 = tpu.memref_squeeze %dma_start3A_34 : memref<1x79x128xi32, #tpu.memory_space<hbm>> -> memref<79x128xi32, #tpu.memory_space<hbm>>
      %dma_start3A_36 = arith.constant 0 : i32
      %dma_start3A_37 = arith.constant 0 : i32
      %dma_start3A_38 = tpu.memref_slice %arg5[%add3A, %dma_start3A_36, %dma_start3A_37] : memref<32x79x128xi32, #tpu.memory_space<hbm>> -> memref<1x79x128xi32, #tpu.memory_space<hbm>>
      %dma_start3A_39 = tpu.memref_squeeze %dma_start3A_38 : memref<1x79x128xi32, #tpu.memory_space<hbm>> -> memref<79x128xi32, #tpu.memory_space<hbm>>
      tpu.enqueue_dma source(%dma_start3A_39 : memref<79x128xi32, #tpu.memory_space<hbm>>) target(%arg8 : memref<79x128xi32, #tpu.memory_space<vmem>>) target_semaphore(%run_scoped3A : memref<!tpu.dma_semaphore, #tpu.memory_space<semaphore_mem>>)
      %dma_wait3A_40 = arith.constant 0 : i32
      %dma_wait3A_41 = arith.constant 0 : i32
      %dma_wait3A_42 = tpu.memref_slice %arg5[%add3A, %dma_wait3A_40, %dma_wait3A_41] : memref<32x79x128xi32, #tpu.memory_space<hbm>> -> memref<1x79x128xi32, #tpu.memory_space<hbm>>
      %dma_wait3A_43 = tpu.memref_squeeze %dma_wait3A_42 : memref<1x79x128xi32, #tpu.memory_space<hbm>> -> memref<79x128xi32, #tpu.memory_space<hbm>>
      %dma_wait3A_44 = arith.constant 0 : i32
      %dma_wait3A_45 = arith.constant 0 : i32
      %dma_wait3A_46 = tpu.memref_slice %arg5[%add3A, %dma_wait3A_44, %dma_wait3A_45] : memref<32x79x128xi32, #tpu.memory_space<hbm>> -> memref<1x79x128xi32, #tpu.memory_space<hbm>>
      %dma_wait3A_47 = tpu.memref_squeeze %dma_wait3A_46 : memref<1x79x128xi32, #tpu.memory_space<hbm>> -> memref<79x128xi32, #tpu.memory_space<hbm>>
      tpu.wait_dma2 semaphore(%run_scoped3A : memref<!tpu.dma_semaphore, #tpu.memory_space<semaphore_mem>>) src(%dma_wait3A_47 : memref<79x128xi32, #tpu.memory_space<hbm>>) dst(%arg8 : memref<79x128xi32, #tpu.memory_space<vmem>>)
      tpu.yield
    }) : () -> ()
    %scan3A = arith.constant 0 : i32
    %scan3A_3 = arith.constant 0 : i32
    %scan3A_4 = arith.constant 79 : i32
    %scan3A_5 = arith.addi %scan3A_3, %scan3A_4 : i32
    %scan3A_6 = arith.constant 1 : i32
    %scan3A_7 = scf.for %scan3A_32 = %scan3A_3 to %scan3A_5 step %scan3A_6 iter_args(%scan3A_33 = %scan3A) -> (i32)  : i32 {
      %dma_start3A_34 = arith.constant 0 : i32
      %dma_start3A_35 = tpu.memref_slice %arg7[%scan3A_32, %dma_start3A_34] : memref<79x128xi32, #tpu.memory_space<vmem>> -> memref<1x128xi32, #tpu.memory_space<vmem>>
      %dma_start3A_36 = tpu.memref_squeeze %dma_start3A_35 : memref<1x128xi32, #tpu.memory_space<vmem>> -> memref<128xi32, #tpu.memory_space<vmem>>
      %dma_start3A_37 = arith.constant 0 : i32
      %dma_start3A_38 = arith.constant 0 : i32
      %dma_start3A_39 = tpu.memref_slice %arg2[%dma_start3A_37, %dma_start3A_38] : memref<10000x128xf32, #tpu.memory_space<hbm>> -> memref<10000x128xf32, #tpu.memory_space<hbm>>
      tpu.enqueue_indirect_dma source(%dma_start3A_39 : memref<10000x128xf32, #tpu.memory_space<hbm>>) target(%arg9 : memref<128x128xf32, #tpu.memory_space<vmem>>) offsets(%dma_start3A_36 : memref<128xi32, #tpu.memory_space<vmem>>) semaphore(%arg11 : memref<!tpu.dma_semaphore, #tpu.memory_space<semaphore_mem>>)
      %dma_wait3A_40 = arith.constant 0 : i32
      %dma_wait3A_41 = tpu.memref_slice %arg7[%scan3A_32, %dma_wait3A_40] : memref<79x128xi32, #tpu.memory_space<vmem>> -> memref<1x128xi32, #tpu.memory_space<vmem>>
      %dma_wait3A_42 = tpu.memref_squeeze %dma_wait3A_41 : memref<1x128xi32, #tpu.memory_space<vmem>> -> memref<128xi32, #tpu.memory_space<vmem>>
      %dma_wait3A_43 = arith.constant 0 : i32
      %dma_wait3A_44 = arith.constant 0 : i32
      %dma_wait3A_45 = tpu.memref_slice %arg2[%dma_wait3A_43, %dma_wait3A_44] : memref<10000x128xf32, #tpu.memory_space<hbm>> -> memref<10000x128xf32, #tpu.memory_space<hbm>>
      tpu.wait_indirect_dma semaphore(%arg11 : memref<!tpu.dma_semaphore, #tpu.memory_space<semaphore_mem>>) src(%dma_wait3A_45 : memref<10000x128xf32, #tpu.memory_space<hbm>>) dst(%arg9 : memref<128x128xf32, #tpu.memory_space<vmem>>)
      "tpu.region"() ({
        %run_scoped3A = tpu.sem_alloc : memref<!tpu.dma_semaphore, #tpu.memory_space<semaphore_mem>>
        %dma_start3A_47 = arith.constant 0 : i32
        %dma_start3A_48 = tpu.memref_slice %arg8[%scan3A_32, %dma_start3A_47] : memref<79x128xi32, #tpu.memory_space<vmem>> -> memref<1x128xi32, #tpu.memory_space<vmem>>
        %dma_start3A_49 = tpu.memref_squeeze %dma_start3A_48 : memref<1x128xi32, #tpu.memory_space<vmem>> -> memref<128xi32, #tpu.memory_space<vmem>>
        %dma_start3A_50 = arith.constant 0 : i32
        %dma_start3A_51 = arith.constant 0 : i32
        %dma_start3A_52 = tpu.memref_slice %arg10[%dma_start3A_50, %dma_start3A_51] : memref<10240x128xf32, #tpu.memory_space<vmem_shared>> -> memref<10240x128xf32, #tpu.memory_space<vmem_shared>>
        tpu.enqueue_indirect_dma source(%arg9 : memref<128x128xf32, #tpu.memory_space<vmem>>) target(%dma_start3A_52 : memref<10240x128xf32, #tpu.memory_space<vmem_shared>>) offsets(%dma_start3A_49 : memref<128xi32, #tpu.memory_space<vmem>>) semaphore(%run_scoped3A : memref<!tpu.dma_semaphore, #tpu.memory_space<semaphore_mem>>) {add = true}
        %dma_wait3A_53 = arith.constant 0 : i32
        %dma_wait3A_54 = tpu.memref_slice %arg8[%scan3A_32, %dma_wait3A_53] : memref<79x128xi32, #tpu.memory_space<vmem>> -> memref<1x128xi32, #tpu.memory_space<vmem>>
        %dma_wait3A_55 = tpu.memref_squeeze %dma_wait3A_54 : memref<1x128xi32, #tpu.memory_space<vmem>> -> memref<128xi32, #tpu.memory_space<vmem>>
        %dma_wait3A_56 = arith.constant 0 : i32
        %dma_wait3A_57 = arith.constant 0 : i32
        %dma_wait3A_58 = tpu.memref_slice %arg10[%dma_wait3A_56, %dma_wait3A_57] : memref<10240x128xf32, #tpu.memory_space<vmem_shared>> -> memref<10240x128xf32, #tpu.memory_space<vmem_shared>>
        tpu.wait_indirect_dma semaphore(%run_scoped3A : memref<!tpu.dma_semaphore, #tpu.memory_space<semaphore_mem>>) src(%arg9 : memref<128x128xf32, #tpu.memory_space<vmem>>) dst(%dma_wait3A_58 : memref<10240x128xf32, #tpu.memory_space<vmem_shared>>)
        tpu.yield
      }) : () -> ()
      %scan3A_46 = arith.constant 0 : i32
      scf.yield %scan3A_46 : i32
    }
    %scan3A_8 = arith.constant 79 : i32
    %barrier3A_9 = arith.constant 0 : index
    tpu.barrier barrier_id(%barrier3A_9)
    %dma_start3A = arith.constant 0 : i32
    %dma_start3A_10 = tpu.memref_slice %arg6[%arg0, %mul3A_2, %dma_start3A] : memref<2x10240x128xf32, #tpu.memory_space<hbm>> -> memref<1x320x128xf32, #tpu.memory_space<hbm>>
    %dma_start3A_11 = tpu.memref_squeeze %dma_start3A_10 : memref<1x320x128xf32, #tpu.memory_space<hbm>> -> memref<320x128xf32, #tpu.memory_space<hbm>>
    %dma_start3A_12 = arith.constant 0 : i32
    %dma_start3A_13 = tpu.memref_slice %arg10[%mul3A_2, %dma_start3A_12] : memref<10240x128xf32, #tpu.memory_space<vmem_shared>> -> memref<320x128xf32, #tpu.memory_space<vmem_shared>>
    tpu.enqueue_dma source(%dma_start3A_13 : memref<320x128xf32, #tpu.memory_space<vmem_shared>>) target(%dma_start3A_11 : memref<320x128xf32, #tpu.memory_space<hbm>>) target_semaphore(%arg11 : memref<!tpu.dma_semaphore, #tpu.memory_space<semaphore_mem>>)
    %add3A_14 = arith.constant 320 : i32
    %add3A_15 = arith.addi %mul3A_2, %add3A_14 : i32
    %add3A_16 = arith.constant 320 : i32
    %add3A_17 = arith.addi %mul3A_2, %add3A_16 : i32
    %dma_start3A_18 = arith.constant 0 : i32
    %dma_start3A_19 = tpu.memref_slice %arg6[%arg0, %add3A_17, %dma_start3A_18] : memref<2x10240x128xf32, #tpu.memory_space<hbm>> -> memref<1x320x128xf32, #tpu.memory_space<hbm>>
    %dma_start3A_20 = tpu.memref_squeeze %dma_start3A_19 : memref<1x320x128xf32, #tpu.memory_space<hbm>> -> memref<320x128xf32, #tpu.memory_space<hbm>>
    %dma_start3A_21 = arith.constant 0 : i32
    %dma_start3A_22 = tpu.memref_slice %arg10[%add3A_15, %dma_start3A_21] : memref<10240x128xf32, #tpu.memory_space<vmem_shared>> -> memref<320x128xf32, #tpu.memory_space<vmem_shared>>
    tpu.enqueue_dma source(%dma_start3A_22 : memref<320x128xf32, #tpu.memory_space<vmem_shared>>) target(%dma_start3A_20 : memref<320x128xf32, #tpu.memory_space<hbm>>) target_semaphore(%arg12 : memref<!tpu.dma_semaphore, #tpu.memory_space<semaphore_mem>>)
    %dma_wait3A = arith.constant 0 : i32
    %dma_wait3A_23 = tpu.memref_slice %arg6[%arg0, %mul3A_2, %dma_wait3A] : memref<2x10240x128xf32, #tpu.memory_space<hbm>> -> memref<1x320x128xf32, #tpu.memory_space<hbm>>
    %dma_wait3A_24 = tpu.memref_squeeze %dma_wait3A_23 : memref<1x320x128xf32, #tpu.memory_space<hbm>> -> memref<320x128xf32, #tpu.memory_space<hbm>>
    %dma_wait3A_25 = arith.constant 0 : i32
    %dma_wait3A_26 = tpu.memref_slice %arg10[%mul3A_2, %dma_wait3A_25] : memref<10240x128xf32, #tpu.memory_space<vmem_shared>> -> memref<320x128xf32, #tpu.memory_space<vmem_shared>>
    tpu.wait_dma2 semaphore(%arg11 : memref<!tpu.dma_semaphore, #tpu.memory_space<semaphore_mem>>) src(%dma_wait3A_26 : memref<320x128xf32, #tpu.memory_space<vmem_shared>>) dst(%dma_wait3A_24 : memref<320x128xf32, #tpu.memory_space<hbm>>)
    %dma_wait3A_27 = arith.constant 0 : i32
    %dma_wait3A_28 = tpu.memref_slice %arg6[%arg0, %add3A_17, %dma_wait3A_27] : memref<2x10240x128xf32, #tpu.memory_space<hbm>> -> memref<1x320x128xf32, #tpu.memory_space<hbm>>
    %dma_wait3A_29 = tpu.memref_squeeze %dma_wait3A_28 : memref<1x320x128xf32, #tpu.memory_space<hbm>> -> memref<320x128xf32, #tpu.memory_space<hbm>>
    %dma_wait3A_30 = arith.constant 0 : i32
    %dma_wait3A_31 = tpu.memref_slice %arg10[%add3A_15, %dma_wait3A_30] : memref<10240x128xf32, #tpu.memory_space<vmem_shared>> -> memref<320x128xf32, #tpu.memory_space<vmem_shared>>
    tpu.wait_dma2 semaphore(%arg12 : memref<!tpu.dma_semaphore, #tpu.memory_space<semaphore_mem>>) src(%dma_wait3A_31 : memref<320x128xf32, #tpu.memory_space<vmem_shared>>) dst(%dma_wait3A_29 : memref<320x128xf32, #tpu.memory_space<hbm>>)
    return
  }
}

module attributes {stable_mosaic.version = 14 : i64} {
  func.func @body(%arg0: i32, %arg1: memref<2x1024x128xf32, #tpu.memory_space<vmem>>, %arg2: memref<128x128xf32, #tpu.memory_space<vmem>>, %arg3: memref<1x128xf32, #tpu.memory_space<vmem>>, %arg4: memref<1024x128xf32, #tpu.memory_space<vmem>>) attributes {dimension_semantics = [#tpu.dimension_semantics<arbitrary>], iteration_bounds = array<i64: 10>, scalar_prefetch = 0 : i64, scratch_operands = 0 : i64, tpu.core_type = #tpu.core_type<tc>, window_params = [{transform_indices = @transform_0, window_bounds = array<i64: 2, 1024, 128>}, {pipeline_mode = #tpu.pipeline_mode<synchronous>, transform_indices = @transform_1, window_bounds = array<i64: 128, 128>}, {pipeline_mode = #tpu.pipeline_mode<synchronous>, transform_indices = @transform_2, window_bounds = array<i64: 1, 128>}, {transform_indices = @transform_3, window_bounds = array<i64: 1024, 128>}]} {
    %get3A = arith.constant 0 : index
    %get3A_0 = arith.constant 0 : index
    %get3A_1 = arith.constant 0 : index
    %get3A_2 = vector.load %arg1[%get3A, %get3A_0, %get3A_1] : memref<2x1024x128xf32, #tpu.memory_space<vmem>>, vector<1x1024x128xf32>
    %get3A_3 = vector.shape_cast %get3A_2 : vector<1x1024x128xf32> to vector<1024x128xf32>
    %get3A_4 = arith.constant 1 : index
    %get3A_5 = arith.constant 0 : index
    %get3A_6 = arith.constant 0 : index
    %get3A_7 = vector.load %arg1[%get3A_4, %get3A_5, %get3A_6] : memref<2x1024x128xf32, #tpu.memory_space<vmem>>, vector<1x1024x128xf32>
    %get3A_8 = vector.shape_cast %get3A_7 : vector<1x1024x128xf32> to vector<1024x128xf32>
    %add3A = arith.addf %get3A_3, %get3A_8 : vector<1024x128xf32>
    %get3A_9 = arith.constant 0 : index
    %get3A_10 = arith.constant 0 : index
    %get3A_11 = vector.load %arg2[%get3A_9, %get3A_10] : memref<128x128xf32, #tpu.memory_space<vmem>>, vector<128x128xf32>
    %dot_general3A = arith.constant dense<0.000000e+00> : vector<1024x128xf32>
    %dot_general3A_12 = tpu.matmul %add3A, %get3A_11, %dot_general3A {dimension_numbers = #tpu.dot_dimension_numbers<[1], [1], [0], [0], [0, 0, 1, 0], [], []>, transpose_lhs_hint = false} : vector<1024x128xf32>, vector<128x128xf32>, vector<1024x128xf32> -> vector<1024x128xf32>
    %get3A_13 = arith.constant 0 : index
    %get3A_14 = arith.constant 0 : index
    %get3A_15 = vector.load %arg3[%get3A_13, %get3A_14] : memref<1x128xf32, #tpu.memory_space<vmem>>, vector<1x128xf32>
    %add3A_16 = vector.broadcast %get3A_15 : vector<1x128xf32> to vector<1024x128xf32>
    %add3A_17 = arith.addf %dot_general3A_12, %add3A_16 : vector<1024x128xf32>
    %swap3A = arith.constant 0 : index
    %swap3A_18 = arith.constant 0 : index
    %swap3A_19 = vector.load %arg4[%swap3A, %swap3A_18] : memref<1024x128xf32, #tpu.memory_space<vmem>>, vector<1024x128xf32>
    tpu.vector_store %arg4[%swap3A, %swap3A_18], %add3A_17 {strides = array<i32>} : memref<1024x128xf32, #tpu.memory_space<vmem>>, vector<1024x128xf32>,
    return
  }
  func.func @transform_0(%arg0: i32) -> (i32, i32, i32) {
    %c0_i32 = arith.constant 0 : i32
    %c0_i32_0 = arith.constant 0 : i32
    %c0_i32_1 = arith.constant 0 : i32
    return %c0_i32, %arg0, %c0_i32_0 : i32, i32, i32
  }
  func.func @transform_1(%arg0: i32) -> (i32, i32) {
    %c0_i32 = arith.constant 0 : i32
    %c0_i32_0 = arith.constant 0 : i32
    %c0_i32_1 = arith.constant 0 : i32
    return %c0_i32, %c0_i32_0 : i32, i32
  }
  func.func @transform_2(%arg0: i32) -> (i32, i32) {
    %c0_i32 = arith.constant 0 : i32
    %c0_i32_0 = arith.constant 0 : i32
    %c0_i32_1 = arith.constant 0 : i32
    return %c0_i32, %c0_i32_0 : i32, i32
  }
  func.func @transform_3(%arg0: i32) -> (i32, i32) {
    %c0_i32 = arith.constant 0 : i32
    %c0_i32_0 = arith.constant 0 : i32
    return %arg0, %c0_i32 : i32, i32
  }
}

</mosaic_0001>

<sc_bundles>
// kernel: kernel.4.cloned.1.call-start
scs
__scs_entry_jumppad:
0x0: {  	(pc) =	sbr.rel $0x88, $3  }
0x1: {  	(tag) =	ssettag $0x0;
	lr =	simm.s32 $0x1  }
0x2: {  	[smem:$0x3F9D] =	sst lr;
	_ =	strace $0xD0000000  }
0x3: {  	_ = 	snop  }
0x4: {  	_ = 	snop  }
0x5: {  	_ = 	snop  }
0x6: {  	_ = 	snop  }
0x7: {  	_ = 	snop  }
__scs_overlays_trampoline_lowered:
0x8: {  	[smem:$0x3FAC] =	sst s0  }
0x9: {  	[smem:$0x3FAD] =	sst s1  }
0xa: {  	[smem:$0x3FAE] =	sst s2  }
0xb: {  	[smem:$0x3FAF] =	sst s3  }
0xc: {  	[smem:$0x3FB0] =	sst s4  }
0xd: {  	[smem:$0x3FB1] =	sst s5  }
0xe: {  	[smem:$0x3FB2] =	sst s6  }
0xf: {  	[smem:$0x3FB3] =	sst s7  }
0x10: {  	[smem:$0x3FB4] =	sst s8  }
0x11: {  	[smem:$0x3FB5] =	sst s9;
	s0 =	simm.s32 @!p0 $0x0  }
0x12: {  	s1 =	sld [smem:$0x3F9B];
	s0 =	simm.s32 @p0 $0x1  }
0x13: {  	[smem:$0x3FB6] =	sst s0;
	s0 =	simm.s32 @!p1 $0x0  }
0x14: {  	s2 =	sld [smem:$0x3F9A];
	s0 =	simm.s32 @p1 $0x1  }
0x15: {  	[smem:$0x3FB7] =	sst s0;
	s0 =	simm.s32 @!p2 $0x0  }
0x16: {  	s3 =	sld [smem:$0x3FDB];
	s0 =	simm.s32 @p2 $0x1  }
0x17: {  	s4 =	simm.s32 $0x1BF5;
	[smem:$0x3FB9] =	sst s0  }
0x18: {  	s0 =	sld [smem:$0x3F9C];
	_ =	swait.ge [sflag:s4], $0x0  }
0x19: {  	s7 =	sld [smem:$0x3F9D]  }
0x1a: {  	s8 =	sadd.s32 $0xFFFFE003, lr  }
0x1b: {  	s9 =	sadd.s32 $0xFFFFFEF7, lr;
	s5 =	simm.s32 $0xFFFFFFFF;
	p2 =	slt.u32 s8, $0xFFFFF086  }
0x1c: {  	p1 =	slt.u32 s9, $0xF7A;
	s5 =	simm.s32 @!p2 $0x0  }
0x1d: {  	s5 =	simm.s32 @p1 $0x1;
	p0 =	seq.s32 s7, s2  }
0x1e: {  	s7 =	smul.u32 @!p0 $0xF7A, s2;
	p2 =	seq.s32 @!p0 s5, $0x0  }
0x1f: {  	s9 =	smul.u32 $0xF7A, s1;
	s8 =	simm.s32 @!p0 $0x1BF5;
	p2 =	por !p2, p0  }
0x20: {  	[sflag:s8] =	ssyncset.s32 @!p0 $0xFFFFF086;
	s6 =	sadd.s32 @!p0 s3, s7;
	s7 =	simm.s32 @!p0 $0x108  }
0x21: {  	s3 =	sadd.s32 s3, s9;
	s6 =	sadd.s32 @!p0 $0x88, s6;
	s7 =	simm.s32 @p2 $0x1082  }
0x22: {  	[simem:s7], [sflag:s8] =	dma.local @!p0 [hbm:s6], $0xF7A  }
0x23: {  	s9 =	sor.u32 $0xD0000000, s2;
	s6 =	simm.s32 $0x108;
	_ =	swait.ge @!p0 [sflag:s8], $0x0  }
0x24: {  	s3 =	sadd.s32 $0x88, s3;
	s6 =	simm.s32 @!p1 $0x1082;
	[sflag:s4] =	ssyncset.s32 $0xFFFFF086  }
0x25: {  	[simem:s6], [sflag:s4] =	dma.local [hbm:s3], $0xF7A  }
0x26: {  	[smem:$0x3F9D] =	sst s1;
	(tag) =	ssettag s2;
	_ =	strace s9  }
0x27: {  	s1 =	sld [smem:$0x3FAD]  }
0x28: {  	s2 =	sld [smem:$0x3FAE]  }
0x29: {  	s4 =	sld [smem:$0x3FB0]  }
0x2a: {  	p0 =	seq.s32 s5, $0x0;
	s5 =	sld [smem:$0x3FB1]  }
0x2b: {  	s6 =	sld [smem:$0x3FB2]  }
0x2c: {  	s7 =	sld [smem:$0x3FB3]  }
0x2d: {  	s3 =	simm.s32 $0x108;
	s8 =	sld [smem:$0x3FB4]  }
0x2e: {  	s3 =	simm.s32 @!p0 $0x1082;
	s9 =	sld [smem:$0x3FB5]  }
0x2f: {  	lr =	sadd.s32 s0, s3;
	s0 =	sld [smem:$0x3FAC]  }
0x30: {  	s3 =	sld [smem:$0x3FAF]  }
0x31: {  	[smem:$0x3FB8] =	sst s10  }
0x32: {  	s10 =	sld [smem:$0x3FB6];
	_ =	sdelay $0x3  }
0x33: {  	p0 =	seq.s32 s10, $0x1;
	s10 =	sld [smem:$0x3FB8];
	_ =	sdelay $0x3  }
0x34: {  	[smem:$0x3FB8] =	sst s10  }
0x35: {  	s10 =	sld [smem:$0x3FB7];
	_ =	sdelay $0x3  }
0x36: {  	p1 =	seq.s32 s10, $0x1;
	s10 =	sld [smem:$0x3FB8];
	_ =	sdelay $0x3  }
0x37: {  	[smem:$0x3FB8] =	sst s10  }
0x38: {  	s10 =	sld [smem:$0x3FB9]  }
0x39: {  	_ = 	snop;
	(pc) =	sbr.ind lr, $3  }
0x3a: {  	_ = 	snop  }
0x3b: {  	_ = 	snop  }
0x3c: {  	p2 =	seq.s32 s10, $0x1;
	s10 =	sld [smem:$0x3FB8]  }
0x3d: {  	_ =	shalt  }
0x3e: {  	_ =	shalt  }
0x3f: {  	_ =	shalt  }
0x40: {  	_ =	shalt  }
0x41: {  	_ =	shalt  }
0x42: {  	_ =	shalt  }
0x43: {  	_ =	shalt  }
0x44: {  	_ =	shalt  }
0x45: {  	_ =	shalt  }
0x46: {  	_ =	shalt  }
0x47: {  	_ =	shalt  }
0x48: {  	_ =	shalt  }
0x49: {  	_ =	shalt  }
0x4a: {  	_ =	shalt  }
0x4b: {  	_ =	shalt  }
0x4c: {  	_ =	shalt  }
0x4d: {  	_ =	shalt  }
0x4e: {  	_ =	shalt  }
0x4f: {  	_ =	shalt  }
0x50: {  	_ =	shalt  }
0x51: {  	_ =	shalt  }
0x52: {  	_ =	shalt  }
0x53: {  	_ =	shalt  }
0x54: {  	_ =	shalt  }
0x55: {  	_ =	shalt  }
0x56: {  	_ =	shalt  }
0x57: {  	_ =	shalt  }
0x58: {  	_ =	shalt  }
0x59: {  	_ =	shalt  }
0x5a: {  	_ =	shalt  }
0x5b: {  	_ =	shalt  }
0x5c: {  	_ =	shalt  }
0x5d: {  	_ =	shalt  }
0x5e: {  	_ =	shalt  }
0x5f: {  	_ =	shalt  }
0x60: {  	_ =	shalt  }
0x61: {  	_ =	shalt  }
0x62: {  	_ =	shalt  }
0x63: {  	_ =	shalt  }
0x64: {  	_ =	shalt  }
0x65: {  	_ =	shalt  }
0x66: {  	_ =	shalt  }
0x67: {  	_ =	shalt  }
0x68: {  	_ =	shalt  }
0x69: {  	_ =	shalt  }
0x6a: {  	_ =	shalt  }
0x6b: {  	_ =	shalt  }
0x6c: {  	_ =	shalt  }
0x6d: {  	_ =	shalt  }
0x6e: {  	_ =	shalt  }
0x6f: {  	_ =	shalt  }
0x70: {  	_ =	shalt  }
0x71: {  	_ =	shalt  }
0x72: {  	_ =	shalt  }
0x73: {  	_ =	shalt  }
0x74: {  	_ =	shalt  }
0x75: {  	_ =	shalt  }
0x76: {  	_ =	shalt  }
0x77: {  	_ =	shalt  }
0x78: {  	_ =	shalt  }
0x79: {  	_ =	shalt  }
0x7a: {  	_ =	shalt  }
0x7b: {  	_ =	shalt  }
0x7c: {  	_ =	shalt  }
0x7d: {  	_ =	shalt  }
0x7e: {  	_ =	shalt  }
0x7f: {  	_ =	shalt  }
0x80: {  	_ =	shalt  }
0x81: {  	_ =	shalt  }
0x82: {  	_ =	shalt  }
0x83: {  	_ =	shalt  }
0x84: {  	_ =	shalt  }
0x85: {  	_ =	shalt  }
0x86: {  	_ =	shalt  }
0x87: {  	_ =	shalt  }
.Lfunc_end0:
.L_simem_size_0:
called_computation_lowered:
.L_overlay_start_0:
0x88: {  	s2 =	sld [smem:$0x3FD9]  }
0x89: {  	s3 =	sld [smem:$0x3FFE];
	_ =	sdelay $0x1  }
0x8a: {  	s1 =	srdreg.scid  }
0x8b: {  	s0 =	sand.u32 $0x1, s1  }
0x8c: {  	s17 =	sshll.u32 s0, $0xA;
	s2 =	sadd.s32 s3, s2  }
0x8d: {  	s2 =	sadd.s32 s2, s17  }
0x8e: {  	[smem:$0x3FC4] =	sst s2  }
0x8f: {  	_ = 	snop  }
0x90: {  	s2 =	sld [smem:$0x3FC9]  }
0x91: {  	s18 =	sld [smem:$0x3FD0];
	(tm) =	ssettm $0x1  }
0x92: {  	s4 =	sld [smem:$0x3FFB];
	_ =	sdelay $0x3  }
0x93: {  	_ =	strace s4  }
0x94: {  	s4 =	sld [smem:$0x3FFC];
	_ =	sdelay $0x3  }
0x95: {  	_ =	strace s4  }
0x96: {  	s4 =	sld [smem:$0x3FFD];
	_ =	sdelay $0x3  }
0x97: {  	_ =	strace s4  }
0x98: {  	_ =	strace $0x8FFFFFFF  }
0x99: {  	s19 =	sld [smem:$0x3FDB];
	_ =	sdelay $0x1  }
0x9a: {  	s5 =	simm.s32 $_scs_section_size  }
0x9b: {  	s6 =	simm.s32 $_size__tile_overlayer_lowered;
	s7 =	simm.s32 $_tile_overlayer_lowered  }
0x9c: {  	s22 =	simm.s32 $0x1BFF;
	s21 =	sshll.u32 s7, $0x1;
	s4 =	sadd.s32 s5, s19  }
0x9d: {  	s8 =	simm.s32 $0x0;
	s20 =	sshll.u32 s6, $0x1;
	s6 =	sadd.s32 s21, s4  }
0x9e: {  	[timem:s8], [sflag:s22] =	dma.local [hbm:s6], s20  }
0x9f: {  	_ =	swait.ge [sflag:s22], s20  }
0xa0: {  	s5 =	ssub.s32 $0x0, s20;
	[sflag:s22] =	ssyncset.done $0x0  }
0xa1: {  	[sflag:s22] =	ssyncadd.s32 s5;
	_ =	sdelay $0x1  }
0xa2: {  	s23 =	simm.s32 $0x1B8B  }
0xa3: {  	_ =	swait.ge [sflag:s23], $0x1  }
0xa4: {  	[sflag:s23] =	ssyncset.done $0x0  }
0xa5: {  	s25 =	simm.s32 $0x1B8E;
	s24 =	sld [smem:$0x3FFE];
	[sflag:s23] =	ssyncadd.s32 $0xFFFFFFFF  }
0xa6: {  	s26 =	simm.s32 $execute0_lowered;
	[smem:$0x3FD2] =	sst s25  }
0xa7: {  	s6 =	sshll.u32 s26, $0x1;
	_ =	strace $0x80000046;
	[dreg:$0x1] =	wrdreg $0xFFFFFFFF  }
0xa8: {  	s28 =	simm.s32 $_size_execute0_lowered;
	s4 =	sadd.s32 s4, s6;
	[dreg:$0x0] =	wrdreg $0x0  }
0xa9: {  	s6 =	sshll.u32 s28, $0x1;
	[dreg:$0x2] =	wrdreg s4  }
0xaa: {  	[dreg:$0x3] =	wrdreg s6  }
0xab: {  	[dreg:$0x4] =	wrdreg $0xC0  }
0xac: {  	_ =	task [dreg:s8], $0x5FFFF  }
0xad: {  	[dreg:$0x1] =	wrdreg $0xFFFFFFFF  }
0xae: {  	[dreg:$0x0] =	wrdreg $0x60  }
0xaf: {  	[dreg:$0x2] =	wrdreg s2  }
0xb0: {  	[dreg:$0x3] =	wrdreg s24  }
0xb1: {  	[dreg:$0x4] =	wrdreg s18  }
0xb2: {  	[dreg:$0x5] =	wrdreg $0x90000  }
0xb3: {  	[dreg:$0x6] =	wrdreg $0x9  }
0xb4: {  	_ =	task.clear_ibuf [dreg:s8], $0x7FFFF;
	_ =	strace $0x90000046  }
0xb5: {  	s29 =	simm.s32 $0x9;
	_ =	strace $0x80000048  }
0xb6: {  	_ =	swait.ge [sflag:s29], $0x1  }
0xb7: {  	[sflag:s29] =	ssyncadd.s32 $0xFFFFFFFF  }
0xb8: {  	_ =	strace $0x90000048  }
0xb9: {  	_ =	sfence  }
0xba: {  	s30 =	sld [smem:$0x0];
	_ =	sdelay $0x2  }
0xbb: {  	s31 =	sshll.u32 s1, $0xD;
	s1 =	sshrl.u32 s1, $0x2  }
0xbc: {  	s3 =	sand.u32 $0x4000, s31;
	s1 =	sadd.s32 s1, s30  }
0xbd: {  	s0 =	sor.u32 s3, s0;
	s1 =	sshll.u32 s1, $0x11  }
0xbe: {  	s0 =	sor.u32 s1, s0  }
0xbf: {  	s0 =	sadd.s32 $0x8F2B, s0  }
0xc0: {  	[sflag:s0] =	ssyncadd.remote.s32 $0x1  }
0xc1: {  	_ =	sfence.sel $0xFFFF  }
0xc2: {  	[dreg:$0x0] =	wrdreg $0xFFFFFFFF;
	(pc) =	sbr.abs _section_cstart, $3  }
0xc3: {  	[dreg:$0x1] =	wrdreg $0xFFFFFFFF  }
0xc4: {  	_ =	task.clear_ibuf [dreg:s8], $0x2FFFF;
	_ =	strace $0x9FFFFFFF  }
0xc5: {  	(tm) =	ssettm $0x7FFFFFFF  }
tec
execute0_lowered:
.L_overlay_start_1:
0x0: {  	(tag) =	ssettag $0x1  }
0x1: {  	s1 =	rddreg [dreg:$0x0]  }
0x2: {  	s5 =	rddreg [dreg:$0x1]  }
0x3: {  	s7 =	rddreg [dreg:$0x2]  }
0x4: {  	s3 =	rddreg [dreg:$0x3]  }
0x5: {  	s0 =	rddreg [dreg:$0x4];
	s2 =	stileid.u32  }
0x6: {  	s6 =	srdreg.scid;
	s4 =	simm.s32 $0x0;
	s17 =	simm.s32 $0x1  }
0x7: {  	s21 =	simm.s32 $0x2;
	s22 =	simm.s32 $0x0;
	s6 =	sand.u32 $0x1, s6  }
0x8: {  	s8 =	sshll.u32 s2, $0x1;
	[smem:$0x7FF] =	sst s4;
	s9 =	smul.u32 $0x14000, s2  }
0x9: {  	s12 =	smul.u32 $0x50000, s2;
	s15 =	sadd.s32 $0x32200, s5;
	s19 =	sshll.u32 s2, $0x6  }
0xa: {  	s8 =	sor.u32 s6, s8;
	_ =	strace $0x80000047;
	s11 =	ssub.s32 $0x2, s6  }
0xb: {  	s30 =	smul.u32 $0x140000, s6;
	s6 =	sor.u32 $0x1C03, s19;
	s18 =	sor.u32 $0x1C01, s19  }
0xc: {  	s19 =	sor.u32 $0x1C02, s19;
	s8 =	smul.u32 $0x500, s8;
	s10 =	sshrl.u32 s9, $0x3  }
0xd: {  	s14 =	sshrl.u32 s11, $0x1;
	s29 =	sshrl.u32 s12, $0x2;
	s16 =	sadd.s32 $0xA000, s9  }
0xe: {  	s10 =	sadd.s32 s10, s5;
	s11 =	ssub.s32 s11, s14;
	s12 =	sadd.s32 s29, s3  }
0xf: {  	s9 =	sadd.s32 s9, s30;
	s31 =	sadd.s32 s30, s16;
	s20 =	sadd.s32 s16, s3  }
0x10: {  	s14 =	simm.s32 $0x2800;
	s16 =	simm.s32 $0x5000;
	s13 =	sadd.s32 s8, s5  }
0x11: {  	s5 =	sadd.s32 $0xA200, s10;
	s7 =	sadd.s32 s7, s8;
	s9 =	sshrl.u32 s9, $0x3  }
0x12: {  	s10 =	sshrl.u32 s31, $0x3;
	s11 =	smax.u32 s11, $0x1;
	s12 =	sshrl.u32 s12, $0x3  }
0x13: {  	s20 =	sshrl.u32 s20, $0x3;
	s8 =	sadd.s32 $0x200, s13;
	s9 =	sadd.s32 s15, s9  }
0x14: {  	s10 =	sadd.s32 s15, s10;
	s13 =	simm.s32 $0x3;
	s15 =	simm.s32 $0x80  }
.LBB2_1:
0x15: {  	[spmem:s12], [sflag:s6] =	dma.local [hbm:s5], $0x2800  }
0x16: {  	_ =	swait.ge [sflag:s13], $0x2800  }
0x17: {  	[sflag:s13] =	ssyncset.done $0x0  }
0x18: {  	[sflag:s13] =	ssyncadd.s32 $0xFFFFD800  }
0x19: {  	[bflag:$0x0] =	sbarrier.arrive $0xFFFF  }
0x1a: {  	[tilespmem:s4], [sflag:$0x3] =	stream.linear.gather [hbm4b:s7+s4], $0x2780, $0x38;
	[tilespmem:$0x1D000] =	vst v63  }
0x1b: {  	_ =	swait.ge [sflag:s13], $0x2780  }
0x1c: {  	[sflag:s13] =	ssyncset.done $0x0  }
0x1d: {  	[sflag:s13] =	ssyncadd.s32 $0xFFFFD880  }
0x1e: {  	[tilespmem:s14], [sflag:$0x3] =	stream.linear.gather [hbm4b:s8+s4], $0x2780, $0x38;
	[tilespmem:$0x1D000] =	vst v63  }
0x1f: {  	_ =	swait.ge [sflag:s13], $0x2780  }
0x20: {  	[sflag:s13] =	ssyncset.done $0x0  }
0x21: {  	s23 =	simm.s32 $0x0;
	[sflag:s13] =	ssyncadd.s32 $0xFFFFD880  }
0x22: {  	[tilespmem:s16], [sflag:$0x1] =	stream.indirect.gather [hbm4b:s1+s15], $0x80, s23, s15, $0xb8;
	[tilespmem:$0x1D000] =	vst v63  }
0x23: {  	_ =	swait.ge [sflag:s17], $0x4000  }
0x24: {  	[sflag:s17] =	ssyncset.done $0x0  }
0x25: {  	s31 =	simm.s32 $0x2800;
	[sflag:s17] =	ssyncadd.s32 $0xFFFFC000  }
0x26: {  	[spmem:s3] =	stream.indirect.scatter.add.f32 [tilespmem:s16], [sflag:$0x3], $0x80, s31, s15, $0xb8;
	[tilespmem:$0x1D000] =	vst v63  }
0x27: {  	_ =	swait.ge [sflag:s13], $0x4000  }
0x28: {  	s24 =	simm.s32 $0x400;
	s23 =	simm.s32 $0x200;
	[sflag:s13] =	ssyncset.done $0x0  }
.LBB2_2:
0x29: {  	s25 =	sshra.s32 s23, $0x2  }
0x2a: {  	[sflag:s13] =	ssyncadd.s32 $0xFFFFC000;
	s23 =	smov.u32 s24;
	s26 =	sadd.s32 $0x200, s24  }
0x2b: {  	[tilespmem:s16], [sflag:$0x1] =	stream.indirect.gather [hbm4b:s1+s15], $0x80, s25, s15, $0xb8;
	[tilespmem:$0x1D000] =	vst v63  }
0x2c: {  	p0 =	sne.s32 s24, $0x9C00;
	_ =	swait.ge [sflag:s17], $0x4000  }
.Ltmp0:
0x2d: {  	[sflag:s17] =	ssyncset.done $0x0;
	(pc) =	sbr.rel @p0 .LBB2_2-.Ltmp0, $4  }
0x2e: {  	s24 =	sadd.s32 $0x2800, s25;
	[sflag:s17] =	ssyncadd.s32 $0xFFFFC000  }
0x2f: {  	[spmem:s3] =	stream.indirect.scatter.add.f32 [tilespmem:s16], [sflag:$0x3], $0x80, s24, s15, $0xb8;
	[tilespmem:$0x1D000] =	vst v63  }
0x30: {  	_ =	swait.ge [sflag:s13], $0x4000  }
0x31: {  	s24 =	smov.u32 s26;
	[sflag:s13] =	ssyncset.done $0x0  }
0x32: {  	s23 =	sshra.s32 s23, $0x2;
	[sflag:s13] =	ssyncadd.s32 $0xFFFFC000  }
0x33: {  	[tilespmem:s16], [sflag:$0x1] =	stream.indirect.gather [hbm4b:s1+s15], $0x80, s23, s15, $0xb8;
	[tilespmem:$0x1D000] =	vst v63  }
0x34: {  	_ =	swait.ge [sflag:s17], $0x4000  }
0x35: {  	[sflag:s17] =	ssyncset.done $0x0  }
0x36: {  	s23 =	sadd.s32 $0x2800, s23;
	[sflag:s17] =	ssyncadd.s32 $0xFFFFC000  }
0x37: {  	[spmem:s3] =	stream.indirect.scatter.add.f32 [tilespmem:s16], [sflag:$0x3], $0x80, s23, s15, $0xb8;
	[tilespmem:$0x1D000] =	vst v63  }
0x38: {  	_ =	swait.ge [sflag:s13], $0x4000  }
0x39: {  	[sflag:s13] =	ssyncset.done $0x0  }
0x3a: {  	[sflag:s13] =	ssyncadd.s32 $0xFFFFC000  }
0x3b: {  	s22 =	sadd.s32 $0x1, s22;
	[bflag:$0x0] =	sbarrier.arrive $0xFFFF  }
0x3c: {  	[hbm:s9], [sflag:s18] =	dma.local [spmem:s12], $0x1400  }
0x3d: {  	[hbm:s10], [sflag:s19] =	dma.local [spmem:s20], $0x1400  }
0x3e: {  	p0 =	sne.s32 s22, s11;
	_ =	swait.ge [sflag:s17], $0x1400  }
.Ltmp1:
0x3f: {  	[sflag:s17] =	ssyncset.done $0x0;
	(pc) =	sbr.rel @p0 .LBB2_1-.Ltmp1, $4  }
0x40: {  	[sflag:s17] =	ssyncadd.s32 $0xFFFFEC00  }
0x41: {  	_ =	swait.ge [sflag:s21], $0x1400  }
0x42: {  	[sflag:s21] =	ssyncset.done $0x0  }
0x43: {  	[sflag:s21] =	ssyncadd.s32 $0xFFFFEC00  }
0x44: {  	_ =	sfence.sel $0x180000  }
0x45: {  	[bflag:$0x0] =	sbarrier.arrive $0xFFFF  }
0x46: {  	p0 =	sne.s32 s2, $0x0;
	_ =	strace $0x90000047  }
0x47: {  	s0 =	sadd.s32 @!p0 $0x100000, s0;
	[bflag:$0x2] =	sbarrier.arrive $0xFFFF  }
0x48: {  	[sflag:s0] =	ssyncadd.tile.s32 @!p0 $0x1;
	_ =	shalt  }
.Lfunc_end2:
_tile_overlayer_lowered:
.L_overlay_start_2:
0x49: {  	(tag) =	ssettag $0x2  }
0x4a: {  	s0 =	rddreg [dreg:$0x0];
	s2 =	stileid.u32  }
0x4b: {  	s1 =	rddreg [dreg:$0x1];
	p0 =	sne.s32 s2, $0x0  }
0x4c: {  	s3 =	rddreg [dreg:$0x2];
	[bflag:$0x3] =	sbarrier.arrive $0xFFFF;
	s2 =	simm.s32 @!p0 $0x1C03  }
0x4d: {  	[timem:s3], [sflag:s2] =	dma.local @!p0 [hbm:s0], s1  }
0x4e: {  	s0 =	simm.s32 @!p0 $0x3  }
0x4f: {  	_ =	swait.ge @!p0 [sflag:s0], s1  }
0x50: {  	s1 =	ssub.s32 @!p0 $0x0, s1;
	[sflag:s0] =	ssyncset.done @!p0 $0x0  }
0x51: {  	[sflag:s0] =	ssyncadd.s32 @!p0 s1  }
0x52: {  	[bflag:$0x3] =	sbarrier.arrive $0xFFFF  }
0x53: {  	_ =	shalt  }

</sc_bundles>
